<compile_context>
chip_gen: v7x
topology: tpu7x:2x2x1
jax: 0.10.2.dev20260603
libtpu: 0.0.44.dev20260713+nightly
codegen_flags: <defaults>
</compile_context>

<pallas_src>
import functools
import jax
import jax.numpy as jnp
from jax import lax
from jax.experimental import pallas as pl
from jax.experimental.pallas import tpu as pltpu
from jax.experimental.pallas import tpu_sc as plsc

N_IN = 162
N_OUT = 42
NUM_CORES = 2
NUM_SUBCORES = 16
NUM_WORKERS = NUM_CORES * NUM_SUBCORES
CHUNK = 256
NBUF = 2


def _sc_pool(total_rows):
    rows_per_worker = total_rows // NUM_WORKERS
    n_chunks = rows_per_worker // CHUNK
    assert n_chunks % NBUF == 0
    mesh = plsc.VectorSubcoreMesh(
        core_axis_name="c", subcore_axis_name="s",
        num_cores=NUM_CORES, num_subcores=NUM_SUBCORES)

    @functools.partial(
        pl.kernel,
        out_type=jax.ShapeDtypeStruct((total_rows * N_OUT,), jnp.float32),
        mesh=mesh,
        scratch_types=[
            pltpu.VMEM_SHARED((NUM_SUBCORES, NBUF, CHUNK * N_IN), jnp.float32),
            pltpu.SemaphoreType.DMA((NBUF,)),
        ],
        compiler_params=pltpu.CompilerParams(needs_layout_passes=False),
    )
    def run(x_hbm, out_hbm, sp, sin):
        cid = lax.axis_index("c")
        sid = lax.axis_index("s")
        wid = sid * NUM_CORES + cid
        base_row = wid * rows_per_worker

        def in_copy(i, b):
            row0 = base_row + i * CHUNK
            return pltpu.make_async_copy(
                x_hbm.at[pl.ds(row0 * N_IN, CHUNK * N_IN)],
                sp.at[sid, b], sin.at[b])

        in_copy(0, 0).start()

        def body(g, _):
            for b in range(NBUF):
                i = g * NBUF + b

                @pl.when(i + 1 < n_chunks)
                def _(i=i, b=b):
                    in_copy(i + 1, (b + 1) % NBUF).start()
                in_copy(i, b).wait()
            return 0

        lax.fori_loop(0, n_chunks // NBUF, body, 0)

    return run


def kernel(x, down_neigh_indices):
    b, c, n_in = x.shape
    total_rows = b * c
    xf = x.reshape(total_rows * n_in)
    out_flat = _sc_pool(total_rows)(xf)
    return out_flat.reshape(b, c, N_OUT)

# --- scband reference (transcript-rebuilt; emitter-appended) ---
"""Pipeline reference for scband-ico-pool-layer-16664473108746 (READ-ONLY COPY).

The authoritative reference and input builder live on the scoring server;
editing this copy changes nothing except your own understanding.
"""

import jax, jax.numpy as jnp
import numpy as np

N_IN = 162
N_OUT = 42
NEIGH = 7
BATCH = 128
CHANNELS = 2048


def _make_down_neigh_indices():
    # same deterministic 1-ring index table as supplied in init_kwargs:
    # row i = [i, (4i)%N_IN, (4i+1)%N_IN, ..., (4i+5)%N_IN], already
    # selected by down_indices = arange(N_OUT).
    rows = []
    for i in range(N_OUT):
        rows.append([i] + [(4 * i + j) % N_IN for j in range(6)])
    return jnp.asarray(np.array(rows, dtype=np.int64))


def setup_inputs(seed: int = 0) -> dict:
    key = jax.random.key(seed)
    x = jax.random.normal(key, (BATCH, CHANNELS, N_IN), dtype=jnp.float32)
    down_neigh_indices = _make_down_neigh_indices()
    return {"x": x, "down_neigh_indices": down_neigh_indices}


def reference(x, down_neigh_indices):
    # IcoPoolLayer.forward with pooling_type='mean'
    n_vertices = (x.shape[2] + 6) // 4  # 42, matches down_neigh_indices.shape[0]
    n_features = x.shape[1]
    neigh_size = down_neigh_indices.shape[1]
    flat_idx = down_neigh_indices.reshape(-1)
    gathered = jnp.take(x, flat_idx, axis=2)
    gathered = gathered.reshape(x.shape[0], n_features, n_vertices, neigh_size)
    out = jnp.mean(gathered, axis=-1)
    # original returns (x, max_pool_indices) with max_pool_indices=None for mean
    return out

if __name__ == "__main__":
    import jax
    _d = setup_inputs()
    print(jax.jit(kernel)(*tuple(_d.values())))

</pallas_src>

<mosaic_0001>
#map = affine_map<(d0, d1) -> (0)>
module attributes {stable_mosaic.version = 14 : i64} {
  func.func @run(%arg0: i32, %arg1: i32, %arg2: memref<42467328xf32, #tpu.memory_space<hbm>>, %arg3: memref<11010048xf32, #tpu.memory_space<hbm>>, %arg4: memref<16x2x41472xf32, #tpu.memory_space<vmem_shared>>, %arg5: memref<2x!tpu.dma_semaphore, #tpu.memory_space<semaphore_mem>>) attributes {dimension_semantics = [#tpu.dimension_semantics<core_parallel>, #tpu.dimension_semantics<subcore_parallel>], iteration_bounds = array<i64: 2, 16>, scalar_prefetch = 0 : i64, scratch_operands = 2 : i64, tpu.core_type = #tpu.core_type<sc_vector_subcore>, window_params = [{transform_indices = #map}, {transform_indices = #map}]} {
    %mul3A = arith.constant 2 : i32
    %mul3A_0 = arith.muli %arg1, %mul3A : i32
    %add3A = arith.addi %mul3A_0, %arg0 : i32
    %mul3A_1 = arith.constant 8192 : i32
    %mul3A_2 = arith.muli %add3A, %mul3A_1 : i32
    %add3A_3 = arith.constant 0 : i32
    %add3A_4 = arith.addi %mul3A_2, %add3A_3 : i32
    %mul3A_5 = arith.constant 162 : i32
    %mul3A_6 = arith.muli %add3A_4, %mul3A_5 : i32
    %dma_start3A = arith.constant 0 : i32
    %dma_start3A_7 = arith.constant 0 : i32
    %dma_start3A_8 = tpu.memref_slice %arg5[%dma_start3A_7] : memref<2x!tpu.dma_semaphore, #tpu.memory_space<semaphore_mem>> -> memref<1x!tpu.dma_semaphore, #tpu.memory_space<semaphore_mem>>
    %dma_start3A_9 = tpu.memref_squeeze %dma_start3A_8 : memref<1x!tpu.dma_semaphore, #tpu.memory_space<semaphore_mem>> -> memref<!tpu.dma_semaphore, #tpu.memory_space<semaphore_mem>>
    %dma_start3A_10 = arith.constant 0 : i32
    %dma_start3A_11 = tpu.memref_slice %arg4[%arg1, %dma_start3A, %dma_start3A_10] : memref<16x2x41472xf32, #tpu.memory_space<vmem_shared>> -> memref<1x1x41472xf32, #tpu.memory_space<vmem_shared>>
    %dma_start3A_12 = tpu.memref_squeeze %dma_start3A_11 : memref<1x1x41472xf32, #tpu.memory_space<vmem_shared>> -> memref<41472xf32, #tpu.memory_space<vmem_shared>>
    %dma_start3A_13 = tpu.memref_slice %arg2[%mul3A_6] : memref<42467328xf32, #tpu.memory_space<hbm>> -> memref<41472xf32, #tpu.memory_space<hbm>>
    tpu.enqueue_dma source(%dma_start3A_13 : memref<41472xf32, #tpu.memory_space<hbm>>) target(%dma_start3A_12 : memref<41472xf32, #tpu.memory_space<vmem_shared>>) target_semaphore(%dma_start3A_9 : memref<!tpu.dma_semaphore, #tpu.memory_space<semaphore_mem>>)
    %scan3A = arith.constant 0 : i32
    %scan3A_14 = arith.constant 0 : i32
    %scan3A_15 = arith.constant 16 : i32
    %scan3A_16 = arith.addi %scan3A_14, %scan3A_15 : i32
    %scan3A_17 = arith.constant 1 : i32
    %scan3A_18 = scf.for %scan3A_20 = %scan3A_14 to %scan3A_16 step %scan3A_17 iter_args(%scan3A_21 = %scan3A) -> (i32)  : i32 {
      %mul3A_22 = arith.constant 2 : i32
      %mul3A_23 = arith.muli %scan3A_20, %mul3A_22 : i32
      %add3A_24 = arith.constant 0 : i32
      %add3A_25 = arith.addi %mul3A_23, %add3A_24 : i32
      %add3A_26 = arith.constant 1 : i32
      %add3A_27 = arith.addi %add3A_25, %add3A_26 : i32
      %lt3A = arith.constant 32 : i32
      %lt3A_28 = arith.cmpi slt, %add3A_27, %lt3A : i32
      %convert_element_type3A = arith.extui %lt3A_28 : i1 to i32
      %cond3A = arith.constant 0 : i32
      %cond3A_29 = arith.cmpi ne, %convert_element_type3A, %cond3A : i32
      scf.if %cond3A_29 {
        %add3A_67 = arith.constant 1 : i32
        %add3A_68 = arith.addi %add3A_25, %add3A_67 : i32
        %mul3A_69 = arith.constant 256 : i32
        %mul3A_70 = arith.muli %add3A_68, %mul3A_69 : i32
        %add3A_71 = arith.addi %mul3A_2, %mul3A_70 : i32
        %mul3A_72 = arith.constant 162 : i32
        %mul3A_73 = arith.muli %add3A_71, %mul3A_72 : i32
        %dma_start3A_74 = arith.constant 1 : i32
        %dma_start3A_75 = arith.constant 1 : i32
        %dma_start3A_76 = tpu.memref_slice %arg5[%dma_start3A_75] : memref<2x!tpu.dma_semaphore, #tpu.memory_space<semaphore_mem>> -> memref<1x!tpu.dma_semaphore, #tpu.memory_space<semaphore_mem>>
        %dma_start3A_77 = tpu.memref_squeeze %dma_start3A_76 : memref<1x!tpu.dma_semaphore, #tpu.memory_space<semaphore_mem>> -> memref<!tpu.dma_semaphore, #tpu.memory_space<semaphore_mem>>
        %dma_start3A_78 = arith.constant 0 : i32
        %dma_start3A_79 = tpu.memref_slice %arg4[%arg1, %dma_start3A_74, %dma_start3A_78] : memref<16x2x41472xf32, #tpu.memory_space<vmem_shared>> -> memref<1x1x41472xf32, #tpu.memory_space<vmem_shared>>
        %dma_start3A_80 = tpu.memref_squeeze %dma_start3A_79 : memref<1x1x41472xf32, #tpu.memory_space<vmem_shared>> -> memref<41472xf32, #tpu.memory_space<vmem_shared>>
        %dma_start3A_81 = tpu.memref_slice %arg2[%mul3A_73] : memref<42467328xf32, #tpu.memory_space<hbm>> -> memref<41472xf32, #tpu.memory_space<hbm>>
        tpu.enqueue_dma source(%dma_start3A_81 : memref<41472xf32, #tpu.memory_space<hbm>>) target(%dma_start3A_80 : memref<41472xf32, #tpu.memory_space<vmem_shared>>) target_semaphore(%dma_start3A_77 : memref<!tpu.dma_semaphore, #tpu.memory_space<semaphore_mem>>)
      } else {
      }
      %mul3A_30 = arith.constant 256 : i32
      %mul3A_31 = arith.muli %add3A_25, %mul3A_30 : i32
      %add3A_32 = arith.addi %mul3A_2, %mul3A_31 : i32
      %mul3A_33 = arith.constant 162 : i32
      %mul3A_34 = arith.muli %add3A_32, %mul3A_33 : i32
      %dma_wait3A = arith.constant 0 : i32
      %dma_wait3A_35 = arith.constant 0 : i32
      %dma_wait3A_36 = tpu.memref_slice %arg5[%dma_wait3A_35] : memref<2x!tpu.dma_semaphore, #tpu.memory_space<semaphore_mem>> -> memref<1x!tpu.dma_semaphore, #tpu.memory_space<semaphore_mem>>
      %dma_wait3A_37 = tpu.memref_squeeze %dma_wait3A_36 : memref<1x!tpu.dma_semaphore, #tpu.memory_space<semaphore_mem>> -> memref<!tpu.dma_semaphore, #tpu.memory_space<semaphore_mem>>
      %dma_wait3A_38 = arith.constant 0 : i32
      %dma_wait3A_39 = tpu.memref_slice %arg4[%arg1, %dma_wait3A, %dma_wait3A_38] : memref<16x2x41472xf32, #tpu.memory_space<vmem_shared>> -> memref<1x1x41472xf32, #tpu.memory_space<vmem_shared>>
      %dma_wait3A_40 = tpu.memref_squeeze %dma_wait3A_39 : memref<1x1x41472xf32, #tpu.memory_space<vmem_shared>> -> memref<41472xf32, #tpu.memory_space<vmem_shared>>
      %dma_wait3A_41 = tpu.memref_slice %arg2[%mul3A_34] : memref<42467328xf32, #tpu.memory_space<hbm>> -> memref<41472xf32, #tpu.memory_space<hbm>>
      tpu.wait_dma2 semaphore(%dma_wait3A_37 : memref<!tpu.dma_semaphore, #tpu.memory_space<semaphore_mem>>) src(%dma_wait3A_41 : memref<41472xf32, #tpu.memory_space<hbm>>) dst(%dma_wait3A_40 : memref<41472xf32, #tpu.memory_space<vmem_shared>>)
      %mul3A_42 = arith.constant 2 : i32
      %mul3A_43 = arith.muli %scan3A_20, %mul3A_42 : i32
      %add3A_44 = arith.constant 1 : i32
      %add3A_45 = arith.addi %mul3A_43, %add3A_44 : i32
      %add3A_46 = arith.constant 1 : i32
      %add3A_47 = arith.addi %add3A_45, %add3A_46 : i32
      %lt3A_48 = arith.constant 32 : i32
      %lt3A_49 = arith.cmpi slt, %add3A_47, %lt3A_48 : i32
      %convert_element_type3A_50 = arith.extui %lt3A_49 : i1 to i32
      %cond3A_51 = arith.constant 0 : i32
      %cond3A_52 = arith.cmpi ne, %convert_element_type3A_50, %cond3A_51 : i32
      scf.if %cond3A_52 {
        %add3A_67 = arith.constant 1 : i32
        %add3A_68 = arith.addi %add3A_45, %add3A_67 : i32
        %mul3A_69 = arith.constant 256 : i32
        %mul3A_70 = arith.muli %add3A_68, %mul3A_69 : i32
        %add3A_71 = arith.addi %mul3A_2, %mul3A_70 : i32
        %mul3A_72 = arith.constant 162 : i32
        %mul3A_73 = arith.muli %add3A_71, %mul3A_72 : i32
        %dma_start3A_74 = arith.constant 0 : i32
        %dma_start3A_75 = arith.constant 0 : i32
        %dma_start3A_76 = tpu.memref_slice %arg5[%dma_start3A_75] : memref<2x!tpu.dma_semaphore, #tpu.memory_space<semaphore_mem>> -> memref<1x!tpu.dma_semaphore, #tpu.memory_space<semaphore_mem>>
        %dma_start3A_77 = tpu.memref_squeeze %dma_start3A_76 : memref<1x!tpu.dma_semaphore, #tpu.memory_space<semaphore_mem>> -> memref<!tpu.dma_semaphore, #tpu.memory_space<semaphore_mem>>
        %dma_start3A_78 = arith.constant 0 : i32
        %dma_start3A_79 = tpu.memref_slice %arg4[%arg1, %dma_start3A_74, %dma_start3A_78] : memref<16x2x41472xf32, #tpu.memory_space<vmem_shared>> -> memref<1x1x41472xf32, #tpu.memory_space<vmem_shared>>
        %dma_start3A_80 = tpu.memref_squeeze %dma_start3A_79 : memref<1x1x41472xf32, #tpu.memory_space<vmem_shared>> -> memref<41472xf32, #tpu.memory_space<vmem_shared>>
        %dma_start3A_81 = tpu.memref_slice %arg2[%mul3A_73] : memref<42467328xf32, #tpu.memory_space<hbm>> -> memref<41472xf32, #tpu.memory_space<hbm>>
        tpu.enqueue_dma source(%dma_start3A_81 : memref<41472xf32, #tpu.memory_space<hbm>>) target(%dma_start3A_80 : memref<41472xf32, #tpu.memory_space<vmem_shared>>) target_semaphore(%dma_start3A_77 : memref<!tpu.dma_semaphore, #tpu.memory_space<semaphore_mem>>)
      } else {
      }
      %mul3A_53 = arith.constant 256 : i32
      %mul3A_54 = arith.muli %add3A_45, %mul3A_53 : i32
      %add3A_55 = arith.addi %mul3A_2, %mul3A_54 : i32
      %mul3A_56 = arith.constant 162 : i32
      %mul3A_57 = arith.muli %add3A_55, %mul3A_56 : i32
      %dma_wait3A_58 = arith.constant 1 : i32
      %dma_wait3A_59 = arith.constant 1 : i32
      %dma_wait3A_60 = tpu.memref_slice %arg5[%dma_wait3A_59] : memref<2x!tpu.dma_semaphore, #tpu.memory_space<semaphore_mem>> -> memref<1x!tpu.dma_semaphore, #tpu.memory_space<semaphore_mem>>
      %dma_wait3A_61 = tpu.memref_squeeze %dma_wait3A_60 : memref<1x!tpu.dma_semaphore, #tpu.memory_space<semaphore_mem>> -> memref<!tpu.dma_semaphore, #tpu.memory_space<semaphore_mem>>
      %dma_wait3A_62 = arith.constant 0 : i32
      %dma_wait3A_63 = tpu.memref_slice %arg4[%arg1, %dma_wait3A_58, %dma_wait3A_62] : memref<16x2x41472xf32, #tpu.memory_space<vmem_shared>> -> memref<1x1x41472xf32, #tpu.memory_space<vmem_shared>>
      %dma_wait3A_64 = tpu.memref_squeeze %dma_wait3A_63 : memref<1x1x41472xf32, #tpu.memory_space<vmem_shared>> -> memref<41472xf32, #tpu.memory_space<vmem_shared>>
      %dma_wait3A_65 = tpu.memref_slice %arg2[%mul3A_57] : memref<42467328xf32, #tpu.memory_space<hbm>> -> memref<41472xf32, #tpu.memory_space<hbm>>
      tpu.wait_dma2 semaphore(%dma_wait3A_61 : memref<!tpu.dma_semaphore, #tpu.memory_space<semaphore_mem>>) src(%dma_wait3A_65 : memref<41472xf32, #tpu.memory_space<hbm>>) dst(%dma_wait3A_64 : memref<41472xf32, #tpu.memory_space<vmem_shared>>)
      %scan3A_66 = arith.constant 0 : i32
      scf.yield %scan3A_66 : i32
    }
    %scan3A_19 = arith.constant 16 : i32
    return
  }
}

</mosaic_0001>

<sc_bundles>
// kernel: kernel.3.cloned.1.call-start
scs
__scs_entry_jumppad:
0x0: {  	(pc) =	sbr.rel $0x88, $3  }
0x1: {  	(tag) =	ssettag $0x0;
	lr =	simm.s32 $0x1  }
0x2: {  	[smem:$0x3FA0] =	sst lr;
	_ =	strace $0xD0000000  }
0x3: {  	_ = 	snop  }
0x4: {  	_ = 	snop  }
0x5: {  	_ = 	snop  }
0x6: {  	_ = 	snop  }
0x7: {  	_ = 	snop  }
__scs_overlays_trampoline_lowered:
0x8: {  	[smem:$0x3FAF] =	sst s0  }
0x9: {  	[smem:$0x3FB0] =	sst s1  }
0xa: {  	[smem:$0x3FB1] =	sst s2  }
0xb: {  	[smem:$0x3FB2] =	sst s3  }
0xc: {  	[smem:$0x3FB3] =	sst s4  }
0xd: {  	[smem:$0x3FB4] =	sst s5  }
0xe: {  	[smem:$0x3FB5] =	sst s6  }
0xf: {  	[smem:$0x3FB6] =	sst s7  }
0x10: {  	[smem:$0x3FB7] =	sst s8  }
0x11: {  	[smem:$0x3FB8] =	sst s9;
	s0 =	simm.s32 @!p0 $0x0  }
0x12: {  	s1 =	sld [smem:$0x3F9E];
	s0 =	simm.s32 @p0 $0x1  }
0x13: {  	[smem:$0x3FB9] =	sst s0;
	s0 =	simm.s32 @!p1 $0x0  }
0x14: {  	s2 =	sld [smem:$0x3F9D];
	s0 =	simm.s32 @p1 $0x1  }
0x15: {  	[smem:$0x3FBA] =	sst s0;
	s0 =	simm.s32 @!p2 $0x0  }
0x16: {  	s3 =	sld [smem:$0x3FDB];
	s0 =	simm.s32 @p2 $0x1  }
0x17: {  	s4 =	simm.s32 $0x1BF5;
	[smem:$0x3FBC] =	sst s0  }
0x18: {  	s0 =	sld [smem:$0x3F9F];
	_ =	swait.ge [sflag:s4], $0x0  }
0x19: {  	s7 =	sld [smem:$0x3FA0]  }
0x1a: {  	s8 =	sadd.s32 $0xFFFFE003, lr  }
0x1b: {  	s9 =	sadd.s32 $0xFFFFFEF7, lr;
	s5 =	simm.s32 $0xFFFFFFFF;
	p2 =	slt.u32 s8, $0xFFFFF086  }
0x1c: {  	p1 =	slt.u32 s9, $0xF7A;
	s5 =	simm.s32 @!p2 $0x0  }
0x1d: {  	s5 =	simm.s32 @p1 $0x1;
	p0 =	seq.s32 s7, s2  }
0x1e: {  	s7 =	smul.u32 @!p0 $0xF7A, s2;
	p2 =	seq.s32 @!p0 s5, $0x0  }
0x1f: {  	s9 =	smul.u32 $0xF7A, s1;
	s8 =	simm.s32 @!p0 $0x1BF5;
	p2 =	por !p2, p0  }
0x20: {  	[sflag:s8] =	ssyncset.s32 @!p0 $0xFFFFF086;
	s6 =	sadd.s32 @!p0 s3, s7;
	s7 =	simm.s32 @!p0 $0x108  }
0x21: {  	s3 =	sadd.s32 s3, s9;
	s6 =	sadd.s32 @!p0 $0x88, s6;
	s7 =	simm.s32 @p2 $0x1082  }
0x22: {  	[simem:s7], [sflag:s8] =	dma.local @!p0 [hbm:s6], $0xF7A  }
0x23: {  	s9 =	sor.u32 $0xD0000000, s2;
	s6 =	simm.s32 $0x108;
	_ =	swait.ge @!p0 [sflag:s8], $0x0  }
0x24: {  	s3 =	sadd.s32 $0x88, s3;
	s6 =	simm.s32 @!p1 $0x1082;
	[sflag:s4] =	ssyncset.s32 $0xFFFFF086  }
0x25: {  	[simem:s6], [sflag:s4] =	dma.local [hbm:s3], $0xF7A  }
0x26: {  	[smem:$0x3FA0] =	sst s1;
	(tag) =	ssettag s2;
	_ =	strace s9  }
0x27: {  	s1 =	sld [smem:$0x3FB0]  }
0x28: {  	s2 =	sld [smem:$0x3FB1]  }
0x29: {  	s4 =	sld [smem:$0x3FB3]  }
0x2a: {  	p0 =	seq.s32 s5, $0x0;
	s5 =	sld [smem:$0x3FB4]  }
0x2b: {  	s6 =	sld [smem:$0x3FB5]  }
0x2c: {  	s7 =	sld [smem:$0x3FB6]  }
0x2d: {  	s3 =	simm.s32 $0x108;
	s8 =	sld [smem:$0x3FB7]  }
0x2e: {  	s3 =	simm.s32 @!p0 $0x1082;
	s9 =	sld [smem:$0x3FB8]  }
0x2f: {  	lr =	sadd.s32 s0, s3;
	s0 =	sld [smem:$0x3FAF]  }
0x30: {  	s3 =	sld [smem:$0x3FB2]  }
0x31: {  	[smem:$0x3FBB] =	sst s10  }
0x32: {  	s10 =	sld [smem:$0x3FB9];
	_ =	sdelay $0x3  }
0x33: {  	p0 =	seq.s32 s10, $0x1;
	s10 =	sld [smem:$0x3FBB];
	_ =	sdelay $0x3  }
0x34: {  	[smem:$0x3FBB] =	sst s10  }
0x35: {  	s10 =	sld [smem:$0x3FBA];
	_ =	sdelay $0x3  }
0x36: {  	p1 =	seq.s32 s10, $0x1;
	s10 =	sld [smem:$0x3FBB];
	_ =	sdelay $0x3  }
0x37: {  	[smem:$0x3FBB] =	sst s10  }
0x38: {  	s10 =	sld [smem:$0x3FBC]  }
0x39: {  	_ = 	snop;
	(pc) =	sbr.ind lr, $3  }
0x3a: {  	_ = 	snop  }
0x3b: {  	_ = 	snop  }
0x3c: {  	p2 =	seq.s32 s10, $0x1;
	s10 =	sld [smem:$0x3FBB]  }
0x3d: {  	_ =	shalt  }
0x3e: {  	_ =	shalt  }
0x3f: {  	_ =	shalt  }
0x40: {  	_ =	shalt  }
0x41: {  	_ =	shalt  }
0x42: {  	_ =	shalt  }
0x43: {  	_ =	shalt  }
0x44: {  	_ =	shalt  }
0x45: {  	_ =	shalt  }
0x46: {  	_ =	shalt  }
0x47: {  	_ =	shalt  }
0x48: {  	_ =	shalt  }
0x49: {  	_ =	shalt  }
0x4a: {  	_ =	shalt  }
0x4b: {  	_ =	shalt  }
0x4c: {  	_ =	shalt  }
0x4d: {  	_ =	shalt  }
0x4e: {  	_ =	shalt  }
0x4f: {  	_ =	shalt  }
0x50: {  	_ =	shalt  }
0x51: {  	_ =	shalt  }
0x52: {  	_ =	shalt  }
0x53: {  	_ =	shalt  }
0x54: {  	_ =	shalt  }
0x55: {  	_ =	shalt  }
0x56: {  	_ =	shalt  }
0x57: {  	_ =	shalt  }
0x58: {  	_ =	shalt  }
0x59: {  	_ =	shalt  }
0x5a: {  	_ =	shalt  }
0x5b: {  	_ =	shalt  }
0x5c: {  	_ =	shalt  }
0x5d: {  	_ =	shalt  }
0x5e: {  	_ =	shalt  }
0x5f: {  	_ =	shalt  }
0x60: {  	_ =	shalt  }
0x61: {  	_ =	shalt  }
0x62: {  	_ =	shalt  }
0x63: {  	_ =	shalt  }
0x64: {  	_ =	shalt  }
0x65: {  	_ =	shalt  }
0x66: {  	_ =	shalt  }
0x67: {  	_ =	shalt  }
0x68: {  	_ =	shalt  }
0x69: {  	_ =	shalt  }
0x6a: {  	_ =	shalt  }
0x6b: {  	_ =	shalt  }
0x6c: {  	_ =	shalt  }
0x6d: {  	_ =	shalt  }
0x6e: {  	_ =	shalt  }
0x6f: {  	_ =	shalt  }
0x70: {  	_ =	shalt  }
0x71: {  	_ =	shalt  }
0x72: {  	_ =	shalt  }
0x73: {  	_ =	shalt  }
0x74: {  	_ =	shalt  }
0x75: {  	_ =	shalt  }
0x76: {  	_ =	shalt  }
0x77: {  	_ =	shalt  }
0x78: {  	_ =	shalt  }
0x79: {  	_ =	shalt  }
0x7a: {  	_ =	shalt  }
0x7b: {  	_ =	shalt  }
0x7c: {  	_ =	shalt  }
0x7d: {  	_ =	shalt  }
0x7e: {  	_ =	shalt  }
0x7f: {  	_ =	shalt  }
0x80: {  	_ =	shalt  }
0x81: {  	_ =	shalt  }
0x82: {  	_ =	shalt  }
0x83: {  	_ =	shalt  }
0x84: {  	_ =	shalt  }
0x85: {  	_ =	shalt  }
0x86: {  	_ =	shalt  }
0x87: {  	_ =	shalt  }
.Lfunc_end0:
.L_simem_size_0:
called_computation.1_lowered:
.L_overlay_start_0:
0x88: {  	s2 =	sld [smem:$0x3FD9]  }
0x89: {  	s3 =	sld [smem:$0x3FFE];
	_ =	sdelay $0x1  }
0x8a: {  	s1 =	srdreg.scid  }
0x8b: {  	s0 =	sand.u32 $0x1, s1  }
0x8c: {  	s16 =	sshll.u32 s0, $0xA;
	s2 =	sadd.s32 s3, s2  }
0x8d: {  	s2 =	sadd.s32 s2, s16  }
0x8e: {  	[smem:$0x3FC7] =	sst s2  }
0x8f: {  	_ = 	snop  }
0x90: {  	(tm) =	ssettm $0x1  }
0x91: {  	s17 =	sld [smem:$0x3FFB];
	_ =	sdelay $0x3  }
0x92: {  	_ =	strace s17  }
0x93: {  	s2 =	sld [smem:$0x3FFC];
	_ =	sdelay $0x3  }
0x94: {  	_ =	strace s2  }
0x95: {  	s2 =	sld [smem:$0x3FFD];
	_ =	sdelay $0x3  }
0x96: {  	_ =	strace s2  }
0x97: {  	_ =	strace $0x8FFFFFFF  }
0x98: {  	s18 =	sld [smem:$0x3FDB];
	_ =	sdelay $0x1  }
0x99: {  	s19 =	simm.s32 $_scs_section_size  }
0x9a: {  	s4 =	simm.s32 $_size__tile_overlayer_lowered;
	s5 =	simm.s32 $_tile_overlayer_lowered  }
0x9b: {  	s22 =	simm.s32 $0x1BFF;
	s21 =	sshll.u32 s5, $0x1;
	s2 =	sadd.s32 s19, s18  }
0x9c: {  	s6 =	simm.s32 $0x0;
	s20 =	sshll.u32 s4, $0x1;
	s4 =	sadd.s32 s21, s2  }
0x9d: {  	[timem:s6], [sflag:s22] =	dma.local [hbm:s4], s20  }
0x9e: {  	_ =	swait.ge [sflag:s22], s20  }
0x9f: {  	s3 =	ssub.s32 $0x0, s20;
	[sflag:s22] =	ssyncset.done $0x0  }
0xa0: {  	[sflag:s22] =	ssyncadd.s32 s3;
	_ =	sdelay $0x1  }
0xa1: {  	s23 =	simm.s32 $0x1B8B  }
0xa2: {  	_ =	swait.ge [sflag:s23], $0x1  }
0xa3: {  	[sflag:s23] =	ssyncset.done $0x0  }
0xa4: {  	s25 =	simm.s32 $0x1B8E;
	s24 =	sld [smem:$0x3FFE];
	[sflag:s23] =	ssyncadd.s32 $0xFFFFFFFF  }
0xa5: {  	s26 =	simm.s32 $execute0_lowered;
	[smem:$0x3FD2] =	sst s25  }
0xa6: {  	s4 =	sshll.u32 s26, $0x1;
	_ =	strace $0x80000046;
	[dreg:$0x1] =	wrdreg $0xFFFFFFFF  }
0xa7: {  	s28 =	simm.s32 $_size_execute0_lowered;
	s2 =	sadd.s32 s2, s4;
	[dreg:$0x0] =	wrdreg $0x0  }
0xa8: {  	s4 =	sshll.u32 s28, $0x1;
	[dreg:$0x2] =	wrdreg s2  }
0xa9: {  	[dreg:$0x3] =	wrdreg s4  }
0xaa: {  	[dreg:$0x4] =	wrdreg $0xC0  }
0xab: {  	_ =	task [dreg:s6], $0x5FFFF  }
0xac: {  	[dreg:$0x1] =	wrdreg $0xFFFFFFFF  }
0xad: {  	[dreg:$0x0] =	wrdreg $0x60  }
0xae: {  	[dreg:$0x2] =	wrdreg s24  }
0xaf: {  	[dreg:$0x3] =	wrdreg $0x0  }
0xb0: {  	[dreg:$0x4] =	wrdreg $0x9  }
0xb1: {  	_ =	task.clear_ibuf [dreg:s6], $0x5FFFF;
	_ =	strace $0x90000046  }
0xb2: {  	s29 =	simm.s32 $0x9;
	_ =	strace $0x80000048  }
0xb3: {  	_ =	swait.ge [sflag:s29], $0x1  }
0xb4: {  	[sflag:s29] =	ssyncadd.s32 $0xFFFFFFFF  }
0xb5: {  	_ =	strace $0x90000048  }
0xb6: {  	_ =	sfence  }
0xb7: {  	s30 =	sld [smem:$0x0];
	_ =	sdelay $0x2  }
0xb8: {  	s31 =	sshll.u32 s1, $0xD;
	s1 =	sshrl.u32 s1, $0x2  }
0xb9: {  	s3 =	sand.u32 $0x4000, s31;
	s1 =	sadd.s32 s1, s30  }
0xba: {  	s0 =	sor.u32 s3, s0;
	s1 =	sshll.u32 s1, $0x11  }
0xbb: {  	s0 =	sor.u32 s1, s0  }
0xbc: {  	s0 =	sadd.s32 $0x8F2B, s0  }
0xbd: {  	[sflag:s0] =	ssyncadd.remote.s32 $0x1  }
0xbe: {  	_ =	sfence.sel $0xFFFF  }
0xbf: {  	[dreg:$0x0] =	wrdreg $0xFFFFFFFF;
	(pc) =	sbr.abs _section_cstart, $3  }
0xc0: {  	[dreg:$0x1] =	wrdreg $0xFFFFFFFF  }
0xc1: {  	_ =	task.clear_ibuf [dreg:s6], $0x2FFFF;
	_ =	strace $0x9FFFFFFF  }
0xc2: {  	(tm) =	ssettm $0x7FFFFFFF  }
0xc3: {  	_ =	shalt  }
tec
execute0_lowered:
.L_overlay_start_1:
0x0: {  	(tag) =	ssettag $0x1  }
0x1: {  	s3 =	rddreg [dreg:$0x0]  }
0x2: {  	s4 =	rddreg [dreg:$0x1]  }
0x3: {  	s0 =	rddreg [dreg:$0x2]  }
0x4: {  	s2 =	simm.s32 $0x0;
	s5 =	srdreg.scid;
	s1 =	stileid.u32  }
0x5: {  	s12 =	simm.s32 $0x10;
	s15 =	simm.s32 $0x2;
	[smem:$0x7FF] =	sst s2  }
0x6: {  	s5 =	sand.u32 $0x1, s5;
	s6 =	smul.u32 $0x51000, s1;
	s8 =	sadd.s32 $0x800800, s3  }
0x7: {  	s9 =	sshll.u32 s1, $0x1;
	s26 =	sshll.u32 s1, $0xE;
	s13 =	sshll.u32 s1, $0x6  }
0x8: {  	_ =	strace $0x80000047;
	s22 =	ssub.s32 $0x2, s5;
	s23 =	sor.u32 s5, s9  }
0x9: {  	s5 =	sshll.u32 s5, $0xD;
	s7 =	sshrl.u32 s22, $0x1;
	s25 =	smul.u32 $0x28800, s23  }
0xa: {  	s6 =	sshrl.u32 s6, $0x2;
	s10 =	smul.u32 $0x144000, s23;
	s5 =	sor.u32 s5, s26  }
0xb: {  	s7 =	ssub.s32 s22, s7;
	s24 =	sadd.s32 s6, s4;
	s4 =	sor.u32 $0x1C01, s13  }
0xc: {  	s6 =	smul.u32 $0x51, s5;
	s13 =	sor.u32 $0x1C02, s13;
	s3 =	sadd.s32 s8, s25  }
0xd: {  	s14 =	sadd.s32 $0x80, s24;
	s5 =	smax.u32 s7, $0x1;
	s28 =	sshrl.u32 s10, $0x3  }
0xe: {  	s9 =	sshrl.u32 s24, $0x3;
	s10 =	simm.s32 $0x1;
	s7 =	sadd.s32 s8, s28  }
0xf: {  	s29 =	sadd.s32 $0xA200, s6;
	s11 =	sadd.s32 $0x5100, s6;
	s14 =	sshrl.u32 s14, $0x3  }
0x10: {  	s6 =	sadd.s32 $0x273C0, s7;
	s30 =	sshrl.u32 s29, $0x2;
	s31 =	sshrl.u32 s11, $0x2  }
0x11: {  	s11 =	simm.s32 $0x20;
	s7 =	sadd.s32 s30, s8;
	s8 =	sadd.s32 s31, s8  }
.LBB2_1:
0x12: {  	[spmem:s9@s11], [sflag:s4] =	dma.strided [hbm:s3@s12], $0x1440, s10, $0x10   }
0x13: {  	s16 =	sadd.s32 $0x0, s8  }
0x14: {  	[spmem:s14@s11], [sflag:s13] =	dma.strided [hbm:s16@s12], $0x1440, s10, $0x10   }
0x15: {  	_ =	swait.ge [sflag:s10], $0x1440  }
0x16: {  	[sflag:s10] =	ssyncset.done $0x0  }
0x17: {  	s31 =	sadd.s32 $0x0, s7;
	[sflag:s10] =	ssyncadd.s32 $0xFFFFEBC0  }
0x18: {  	[spmem:s9@s11], [sflag:s4] =	dma.strided [hbm:s31@s12], $0x1440, s10, $0x10   }
0x19: {  	_ =	swait.ge [sflag:s15], $0x1440  }
0x1a: {  	s17 =	simm.s32 $0x5100;
	s16 =	simm.s32 $0x2880;
	[sflag:s15] =	ssyncset.done $0x0  }
.LBB2_2:
0x1b: {  	s18 =	sadd.s32 s16, s8  }
0x1c: {  	[sflag:s15] =	ssyncadd.s32 $0xFFFFEBC0;
	s19 =	smov.u32 s17;
	s20 =	sadd.s32 $0x2880, s17  }
0x1d: {  	[spmem:s14@s11], [sflag:s13] =	dma.strided [hbm:s18@s12], $0x1440, s10, $0x10   }
0x1e: {  	p0 =	sne.s32 s17, $0x23700;
	_ =	swait.ge [sflag:s10], $0x1440  }
.Ltmp0:
0x1f: {  	[sflag:s10] =	ssyncset.done $0x0;
	(pc) =	sbr.rel @p0 .LBB2_2-.Ltmp0, $4  }
0x20: {  	s17 =	sadd.s32 s16, s7;
	s16 =	smov.u32 s19;
	[sflag:s10] =	ssyncadd.s32 $0xFFFFEBC0  }
0x21: {  	[spmem:s9@s11], [sflag:s4] =	dma.strided [hbm:s17@s12], $0x1440, s10, $0x10   }
0x22: {  	_ =	swait.ge [sflag:s15], $0x1440  }
0x23: {  	s17 =	smov.u32 s20;
	[sflag:s15] =	ssyncset.done $0x0  }
0x24: {  	s17 =	sadd.s32 s16, s8;
	[sflag:s15] =	ssyncadd.s32 $0xFFFFEBC0  }
0x25: {  	[spmem:s14@s11], [sflag:s13] =	dma.strided [hbm:s17@s12], $0x1440, s10, $0x10   }
0x26: {  	_ =	swait.ge [sflag:s10], $0x1440  }
0x27: {  	[sflag:s10] =	ssyncset.done $0x0  }
0x28: {  	s31 =	sadd.s32 s16, s7;
	[sflag:s10] =	ssyncadd.s32 $0xFFFFEBC0  }
0x29: {  	[spmem:s9@s11], [sflag:s4] =	dma.strided [hbm:s31@s12], $0x1440, s10, $0x10   }
0x2a: {  	_ =	swait.ge [sflag:s15], $0x1440  }
0x2b: {  	[sflag:s15] =	ssyncset.done $0x0  }
0x2c: {  	s2 =	sadd.s32 $0x1, s2;
	[sflag:s15] =	ssyncadd.s32 $0xFFFFEBC0  }
0x2d: {  	[spmem:s14@s11], [sflag:s13] =	dma.strided [hbm:s6@s12], $0x1440, s10, $0x10   }
0x2e: {  	p0 =	sne.s32 s2, s5;
	_ =	swait.ge [sflag:s10], $0x1440  }
.Ltmp1:
0x2f: {  	[sflag:s10] =	ssyncset.done $0x0;
	(pc) =	sbr.rel @p0 .LBB2_1-.Ltmp1, $4  }
0x30: {  	[sflag:s10] =	ssyncadd.s32 $0xFFFFEBC0  }
0x31: {  	_ =	swait.ge [sflag:s15], $0x1440  }
0x32: {  	[sflag:s15] =	ssyncset.done $0x0  }
0x33: {  	[sflag:s15] =	ssyncadd.s32 $0xFFFFEBC0  }
0x34: {  	_ =	sfence.sel $0x180000  }
0x35: {  	[bflag:$0x0] =	sbarrier.arrive $0xFFFF  }
0x36: {  	p0 =	sne.s32 s1, $0x0;
	_ =	strace $0x90000047  }
0x37: {  	s0 =	sadd.s32 @!p0 $0x100000, s0;
	[bflag:$0x2] =	sbarrier.arrive $0xFFFF  }
0x38: {  	[sflag:s0] =	ssyncadd.tile.s32 @!p0 $0x1;
	_ =	shalt  }
.Lfunc_end2:
_tile_overlayer_lowered:
.L_overlay_start_2:
0x39: {  	(tag) =	ssettag $0x2  }
0x3a: {  	s0 =	rddreg [dreg:$0x0];
	s2 =	stileid.u32  }
0x3b: {  	s1 =	rddreg [dreg:$0x1];
	p0 =	sne.s32 s2, $0x0  }
0x3c: {  	s3 =	rddreg [dreg:$0x2];
	[bflag:$0x3] =	sbarrier.arrive $0xFFFF;
	s2 =	simm.s32 @!p0 $0x1C03  }
0x3d: {  	[timem:s3], [sflag:s2] =	dma.local @!p0 [hbm:s0], s1  }
0x3e: {  	s0 =	simm.s32 @!p0 $0x3  }
0x3f: {  	_ =	swait.ge @!p0 [sflag:s0], s1  }
0x40: {  	s1 =	ssub.s32 @!p0 $0x0, s1;
	[sflag:s0] =	ssyncset.done @!p0 $0x0  }
0x41: {  	[sflag:s0] =	ssyncadd.s32 @!p0 s1  }
0x42: {  	[bflag:$0x3] =	sbarrier.arrive $0xFFFF  }
0x43: {  	_ =	shalt  }

// kernel: sparse-core-data-format-call.cloned.1.call-start
scs
called_computation_lowered:
.L_overlay_start_0:
0x0: {  	s2 =	sld [smem:$0x3FD9]  }
0x1: {  	s3 =	sld [smem:$0x3FFE];
	_ =	sdelay $0x1  }
0x2: {  	s1 =	srdreg.scid  }
0x3: {  	s0 =	sand.u32 $0x1, s1  }
0x4: {  	s18 =	sshll.u32 s0, $0xA;
	s2 =	sadd.s32 s3, s2  }
0x5: {  	s2 =	sadd.s32 s2, s18  }
0x6: {  	[smem:$0x3FC7] =	sst s2  }
0x7: {  	_ = 	snop  }
0x8: {  	s2 =	sld [smem:$0x3FD0];
	(tm) =	ssettm $0x1  }
0x9: {  	s19 =	sld [smem:$0x3FFB];
	_ =	sdelay $0x3  }
0xa: {  	_ =	strace s19  }
0xb: {  	s3 =	sld [smem:$0x3FFC];
	_ =	sdelay $0x3  }
0xc: {  	_ =	strace s3  }
0xd: {  	s3 =	sld [smem:$0x3FFD];
	_ =	sdelay $0x3  }
0xe: {  	_ =	strace s3  }
0xf: {  	_ =	strace $0x8FFFFFFF  }
0x10: {  	s20 =	sld [smem:$0x3FDB];
	_ =	sdelay $0x1  }
0x11: {  	s4 =	simm.s32 $_scs_section_size  }
0x12: {  	s5 =	simm.s32 $_size__tile_overlayer_lowered;
	s6 =	simm.s32 $_tile_overlayer_lowered  }
0x13: {  	s23 =	simm.s32 $0x1BFF;
	s22 =	sshll.u32 s6, $0x1;
	s3 =	sadd.s32 s4, s20  }
0x14: {  	s7 =	simm.s32 $0x0;
	s21 =	sshll.u32 s5, $0x1;
	s5 =	sadd.s32 s22, s3  }
0x15: {  	[timem:s7], [sflag:s23] =	dma.local [hbm:s5], s21  }
0x16: {  	_ =	swait.ge [sflag:s23], s21  }
0x17: {  	s4 =	ssub.s32 $0x0, s21;
	[sflag:s23] =	ssyncset.done $0x0  }
0x18: {  	[sflag:s23] =	ssyncadd.s32 s4;
	_ =	sdelay $0x1  }
0x19: {  	s24 =	simm.s32 $0x1B8B  }
0x1a: {  	_ =	swait.ge [sflag:s24], $0x1  }
0x1b: {  	[sflag:s24] =	ssyncset.done $0x0  }
0x1c: {  	s26 =	simm.s32 $0x1B8E;
	s25 =	sld [smem:$0x3FFE];
	[sflag:s24] =	ssyncadd.s32 $0xFFFFFFFF  }
0x1d: {  	s27 =	simm.s32 $execute0_lowered;
	[smem:$0x3FD2] =	sst s26  }
0x1e: {  	s5 =	sshll.u32 s27, $0x1;
	_ =	strace $0x80000049;
	[dreg:$0x1] =	wrdreg $0xFFFFFFFF  }
0x1f: {  	s28 =	simm.s32 $_size_execute0_lowered;
	s3 =	sadd.s32 s3, s5;
	[dreg:$0x0] =	wrdreg $0x0  }
0x20: {  	s5 =	sshll.u32 s28, $0x1;
	[dreg:$0x2] =	wrdreg s3  }
0x21: {  	[dreg:$0x3] =	wrdreg s5  }
0x22: {  	[dreg:$0x4] =	wrdreg $0xC0  }
0x23: {  	_ =	task [dreg:s7], $0x5FFFF  }
0x24: {  	[dreg:$0x1] =	wrdreg $0xFFFFFFFF  }
0x25: {  	[dreg:$0x0] =	wrdreg $0x60  }
0x26: {  	[dreg:$0x2] =	wrdreg s25  }
0x27: {  	[dreg:$0x3] =	wrdreg s2  }
0x28: {  	[dreg:$0x4] =	wrdreg $0x9  }
0x29: {  	_ =	task.clear_ibuf [dreg:s7], $0x5FFFF;
	_ =	strace $0x90000049  }
0x2a: {  	s29 =	simm.s32 $0x9;
	_ =	strace $0x8000004B  }
0x2b: {  	_ =	swait.ge [sflag:s29], $0x1  }
0x2c: {  	[sflag:s29] =	ssyncadd.s32 $0xFFFFFFFF  }
0x2d: {  	_ =	strace $0x9000004B  }
0x2e: {  	_ =	sfence  }
0x2f: {  	s30 =	sld [smem:$0x0];
	_ =	sdelay $0x2  }
0x30: {  	s31 =	sshll.u32 s1, $0xD;
	s1 =	sshrl.u32 s1, $0x2  }
0x31: {  	s3 =	sand.u32 $0x4000, s31;
	s1 =	sadd.s32 s1, s30  }
0x32: {  	s0 =	sor.u32 s3, s0;
	s1 =	sshll.u32 s1, $0x11  }
0x33: {  	s0 =	sor.u32 s1, s0  }
0x34: {  	s0 =	sadd.s32 $0x8F2B, s0  }
0x35: {  	[sflag:s0] =	ssyncadd.remote.s32 $0x1  }
0x36: {  	_ =	sfence.sel $0xFFFF  }
0x37: {  	[dreg:$0x0] =	wrdreg $0xFFFFFFFF;
	(pc) =	sbr.abs _section_cstart, $3  }
0x38: {  	[dreg:$0x1] =	wrdreg $0xFFFFFFFF  }
0x39: {  	_ =	task.clear_ibuf [dreg:s7], $0x2FFFF;
	_ =	strace $0x9FFFFFFF  }
0x3a: {  	(tm) =	ssettm $0x7FFFFFFF  }
0x3b: {  	_ =	shalt  }
tec
execute0_lowered:
.L_overlay_start_1:
0x0: {  	(tag) =	ssettag $0x1  }
0x1: {  	s0 =	srdreg.scid;
	s7 =	rddreg [dreg:$0x0]  }
0x2: {  	s2 =	rddreg [dreg:$0x1];
	s8 =	simm.s32 $0x1;
	s1 =	sshll.u32 s0, $0x4  }
0x3: {  	s9 =	simm.s32 $0x2;
	s0 =	stileid.u32;
	s1 =	sand.u32 $0x10, s1  }
0x4: {  	s15 =	simm.s32 $0x0;
	s16 =	simm.s32 $0x0;
	s1 =	sor.u32 s0, s1  }
0x5: {  	s10 =	simm.s32 $0x0;
	s11 =	simm.s32 $0x0;
	s3 =	sshll.u32 s1, $0x1  }
0x6: {  	s12 =	simm.s32 $0x0;
	s14 =	simm.s32 $0x0;
	s6 =	ssub.s32 $0x80, s3  }
0x7: {  	s4 =	sadd.s32 $0x800, s7;
	s7 =	sadd.s32 $0x8800, s7;
	s5 =	sand.u32 $0x3E, s6  }
.Ltmp0:
0x8: {  	s1 =	rddreg [dreg:$0x2];
	p0 =	sne.s32 s5, $0x0;
	(pc) =	sbr.rel .LBB1_1-.Ltmp0, $4  }
0x9: {  	_ =	strace $0x8000004A;
	s6 =	sshrl.u32 s6, $0x6;
	s8 =	simm.s32 @!p0 $0x0  }
0xa: {  	s13 =	smov.u32 s3;
	s5 =	simm.s32 $0x1;
	s6 =	sadd.s32 s8, s6  }
0xb: {  	[sflag:s5] =	ssyncpa.u1 $0x0;
	p0 =	por $0x0, $0x0;
	s6 =	sshll.u32 s6, $0x4  }
0xc: {  	[sflag:s9] =	ssyncpa.u1 $0x0;
	s9 =	simm.s32 $0x40000;
	s8 =	sor.u32 $0x1, s6  }
.LBB1_7:
0xd: {  	p1 =	slt.u32 s14, $0x2  }
0xe: {  	s18 =	smov.u32 s16;
	p2 =	sgt.s32 @!p1 s16, $0x7E;
	s17 =	sshra.s32 @!p1 s16, $0x1F  }
0xf: {  	p3 =	sgt.s32 @!p1 s15, $0x780;
	s19 =	sshra.s32 @!p1 s15, $0x1F;
	p2 =	por !p2, p1  }
0x10: {  	s16 =	sand.u32 @!p1 s17, s16;
	p3 =	por !p3, p1;
	s17 =	smov.u32 s15  }
0x11: {  	s15 =	sand.u32 @!p1 s19, s15;
	s18 =	simm.s32 @p2 $0x7E;
	s17 =	simm.s32 @p3 $0x780  }
0x12: {  	s19 =	smov.u32 s13;
	s16 =	ssub.s32 @!p1 s18, s16;
	s15 =	ssub.s32 @!p1 s17, s15  }
0x13: {  	s17 =	sadd.s32 @!p1 $0xFFFFFF82, s16;
	s16 =	ssub.s32 @!p1 $0x80, s16;
	s18 =	sadd.s32 @!p1 $0xFFFFF880, s15  }
0x14: {  	p2 =	sgt.s32 @!p1 s17, $0x1;
	s16 =	smul.u32 @!p1 $0x2A, s16;
	p3 =	sgt.s32 @!p1 s18, $0x7F  }
0x15: {  	s15 =	ssub.s32 @!p1 $0x800, s15;
	p2 =	por !p2, p1;
	p3 =	por !p3, p1  }
0x16: {  	s17 =	sadd.s32 $0x80, s12;
	s16 =	simm.s32 @!p2 $0x0;
	s15 =	simm.s32 @!p3 $0x0  }
0x17: {  	p2 =	sgt.s32 s17, $0x7FF;
	s15 =	smul.u32 @!p1 s15, s16;
	s16 =	sadd.s32 $0x40, s13  }
0x18: {  	s19 =	smov.u32 @p2 s16  }
0x19: {  	s17 =	simm.s32 @p2 $0x0;
	p2 =	sgt.s32 s19, $0x7F  }
0x1a: {  	s19 =	smov.u32 @p2 s3;
	p2 =	sne.s32 s14, s8  }
.Ltmp1:
0x1b: {  	p0 =	por !p0, !p0;
	s18 =	simm.s32 @!p1 $0x2;
	(pc) =	sbr.rel @!p2 .LBB1_8-.Ltmp1, $4  }
0x1c: {  	s16 =	smov.u32 s11;
	s11 =	smov.u32 s13;
	s15 =	sand.u32 @!p1 $0x3FFFFFFE, s15  }
0x1d: {  	_ =	swait.ge @!p1 [sflag:s18], s15;
	s20 =	ssub.s32 @!p1 $0x0, s15;
	s15 =	smov.u32 s10  }
0x1e: {  	s14 =	sadd.s32 $0x1, s14;
	s10 =	smov.u32 s12;
	[sflag:s18] =	ssyncset.done @!p1 $0x0  }
0x1f: {  	s12 =	smov.u32 s17;
	s13 =	smov.u32 s19;
	[sflag:s18] =	ssyncadd.s32 @!p1 s20  }
.LBB1_1:
0x20: {  	p1 =	sge.u32 s14, s6  }
0x21: {  	s17 =	sxor.u32 @!p1 $0xFFFFFFFF, s14;
	s18 =	sshll.u32 @!p1 s13, $0xF  }
0x22: {  	s19 =	sshll.u32 @!p1 s12, $0x4;
	s21 =	simm.s32 @!p1 $0x40;
	s22 =	simm.s32 @!p1 $0x80  }
0x23: {  	s17 =	sshll.u32 @!p1 s17, $0xE;
	s19 =	sand.u32 @!p1 $0x7FF0, s19;
	s20 =	sadd.s32 @!p1 s4, s18  }
0x24: {  	s18 =	sadd.s32 @!p1 s18, s7;
	s17 =	sand.u32 @!p1 $0x4000, s17;
	s20 =	sadd.s32 @!p1 s19, s20  }
0x25: {  	[tilespmem:s17], [sflag:$0x1] =	stream.strided.gather @!p1 [hbm4b:s20+s21], $0x2000, s22, s21, $0x38;
	[tilespmem:$0x10100] =	vst v63  }
0x26: {  	s31 =	sadd.s32 $0xFFFFFFFF, s14;
	s18 =	sadd.s32 @!p1 s19, s18;
	s17 =	sor.u32 @!p1 $0x2000, s17  }
0x27: {  	[tilespmem:s17], [sflag:$0x1] =	stream.strided.gather @!p1 [hbm4b:s18+s21], $0x2000, s22, s21, $0x38;
	[tilespmem:$0x10100] =	vst v63  }
0x28: {  	p1 =	sge.u32 s31, s6  }
.Ltmp2:
0x29: {  	_ = 	snop;
	(pc) =	sbr.rel @p1 .LBB1_7-.Ltmp2, $1  }
0x2a: {  	_ =	sdelay $0x3  }
0x2b: {  	s17 =	simm.s32 $0x1;
	s19 =	sand.u32 $0x1, s14  }
0x2c: {  	_ =	swait.ge [sflag:s5], $0x4000;
	s17 =	simm.s32 @!p0 $0x0;
	s19 =	smul.u32 $0x10200, s19  }
0x2d: {  	p2 =	por $0x1, $0x1;
	[sflag:s5] =	ssyncset.done $0x0;
	s18 =	smul.u32 $0x10200, s17  }
0x2e: {  	s20 =	sshll.u32 s17, $0x10;
	[sflag:s5] =	ssyncadd.s32 $0xFFFFC000;
	s30 =	sshrl.u32 s19, $0x2  }
0x2f: {  	s31 =	sshrl.u32 s20, $0x2;
	s20 =	simm.s32 $0x0;
	s18 =	sshrl.u32 s18, $0x2  }
0x30: {  	s17 =	sor.u32 $0x8000, s30;
	s19 =	sadd.s32 $0x20, s31;
	s18 =	sor.u32 $0x8000, s18  }
.LBB1_3:
0x31: {  	s21 =	sshll.u32 s20, $0xD  }
0x32: {  	s21 =	sand.u32 $0x3FFFE000, s21  }
0x33: {  	s23 =	sadd.s32 s21, s19  }
0x34: {  	s31 =	smul.u32 $0x204, s20;
	v3 =	vld [tilespmem:s23+$0x10]  }
0x35: {  	v1 =	vld [tilespmem:s23+$0xFFFFFFF0]  }
0x36: {  	s20 =	sshra.s32 s31, $0x2;
	v0 =	vld [tilespmem:s23+$0x0]  }
0x37: {  	s20 =	sadd.s32 s20, s18;
	v2 =	vld [tilespmem:s23+$0xFFFFFFE0]  }
0x38: {  	s21 =	sadd.s32 $0x0, s20  }
0x39: {  	p1 =	por p2, p2;
	s22 =	simm.s32 $0x4;
	s23 =	sadd.s32 $0x40, s23;
	[tilespmem:s21+$0x3060 ss:$0x102] =	vst.msk $0xffff, v3  }
.LBB1_4:
0x3a: {  	v3 =	vld [tilespmem:s23+$0x10];
	p2 =	sne.s32 s22, $0x1FC;
	[tilespmem:s21+$0x1020 ss:$0x102] =	vst.msk $0xffff, v1;
	s24 =	smov.u32 s22;
	s22 =	sadd.s32 $0x4, s22  }
.Ltmp3:
0x3b: {  	v1 =	vld [tilespmem:s23+$0xFFFFFFF0];
	[tilespmem:s21+$0x2040 ss:$0x102] =	vst.msk $0xffff, v0;
	(pc) =	sbr.rel @p2 .LBB1_4-.Ltmp3, $4  }
0x3c: {  	v0 =	vld [tilespmem:s23+$0x0];
	[tilespmem:s21+$0x0 ss:$0x102] =	vst.msk $0xffff, v2  }
0x3d: {  	s21 =	sshra.s32 s24, $0x2;
	v2 =	vld [tilespmem:s23+$0xFFFFFFE0]  }
0x3e: {  	s21 =	sadd.s32 s21, s20  }
0x3f: {  	s23 =	sadd.s32 $0x40, s23;
	[tilespmem:s21+$0x3060 ss:$0x102] =	vst.msk $0xffff, v3  }
.Ltmp4:
0x40: {  	(pc) =	sbr.rel @p1 .LBB1_3-.Ltmp4, $4  }
0x41: {  	_ = 	snop  }
0x42: {  	[tilespmem:s21+$0x1020 ss:$0x102] =	vst.msk $0xffff, v1  }
0x43: {  	[tilespmem:s21+$0x2040 ss:$0x102] =	vst.msk $0xffff, v0  }
0x44: {  	s20 =	simm.s32 $0x1;
	p2 =	por $0x0, $0x0;
	[tilespmem:s21+$0x0 ss:$0x102] =	vst.msk $0xffff, v2  }
0x45: {  	s18 =	sand.u32 $0x78, s10;
	p1 =	sgt.s32 s11, $0x7E;
	s19 =	smov.u32 s11  }
0x46: {  	s20 =	sshra.s32 s11, $0x1F;
	s21 =	sshll.u32 s11, $0xB;
	s22 =	sshll.u32 s10, $0x3  }
0x47: {  	s30 =	sshra.s32 s10, $0x1F;
	s24 =	sshll.u32 s11, $0x7;
	s19 =	simm.s32 @!p1 $0x7E  }
0x48: {  	s20 =	sand.u32 s20, s11;
	s21 =	sand.u32 $0x3C000, s21;
	p1 =	sgt.s32 s10, $0x780  }
0x49: {  	s24 =	sand.u32 $0x380, s24;
	s19 =	ssub.s32 s19, s20;
	s20 =	smov.u32 s10  }
0x4a: {  	s21 =	sadd.s32 s21, s22;
	s23 =	sadd.s32 $0xFFFFFF82, s19;
	s20 =	simm.s32 @!p1 $0x780  }
0x4b: {  	s19 =	ssub.s32 $0x80, s19;
	p1 =	sgt.s32 s23, $0x1;
	s23 =	sand.u32 s30, s10  }
0x4c: {  	s22 =	sand.u32 $0x400, s22;
	s19 =	smul.u32 $0x2A, s19;
	s20 =	ssub.s32 s20, s23  }
0x4d: {  	s18 =	sor.u32 s24, s18;
	s21 =	sand.u32 $0x3F800, s21;
	s23 =	sadd.s32 $0xFFFFF880, s20  }
0x4e: {  	s19 =	simm.s32 @p1 $0x0;
	s20 =	ssub.s32 $0x800, s20;
	p1 =	sgt.s32 s23, $0x7F  }
.Ltmp5:
0x4f: {  	s18 =	sor.u32 s22, s18;
	s20 =	simm.s32 @p1 $0x0;
	(pc) =	sbr.rel .LBB1_7-.Ltmp5, $4  }
0x50: {  	s31 =	sand.u32 $0x7, s10;
	s18 =	sor.u32 s21, s18;
	s19 =	smul.u32 s20, s19  }
0x51: {  	s18 =	sshrl.u32 s18, $0x3;
	s20 =	sshll.u32 s31, $0x12  }
0x52: {  	s18 =	sadd.s32 s2, s18;
	s20 =	sor.u32 $0x100, s20;
	s19 =	sand.u32 $0x3FFFFFFE, s19  }
0x53: {  	[hbm4b:s18+s20] =	stream.strided.scatter [tilespmem:s17], [sflag:$0x2], s19, s9, s20, $0x20;
	[tilespmem:$0x10100] =	vst v63  }
.LBB1_8:
0x54: {  	_ =	sfence.sel $0x180000  }
0x55: {  	s2 =	simm.s32 $0x1;
	[bflag:$0x0] =	sbarrier.arrive $0xFFFF  }
0x56: {  	s31 =	simm.s32 $0x2;
	[sflag:s2] =	ssyncpa.u1 $0x1  }
0x57: {  	[sflag:s31] =	ssyncpa.u1 $0x1  }
0x58: {  	p0 =	sne.s32 s0, $0x0;
	_ =	strace $0x9000004A  }
0x59: {  	s0 =	sadd.s32 @!p0 $0x100000, s1;
	[bflag:$0x2] =	sbarrier.arrive $0xFFFF  }
0x5a: {  	[sflag:s0] =	ssyncadd.tile.s32 @!p0 $0x1;
	_ =	shalt  }
.Lfunc_end1:
_tile_overlayer_lowered:
.L_overlay_start_2:
0x5b: {  	(tag) =	ssettag $0x2  }
0x5c: {  	s0 =	rddreg [dreg:$0x0];
	s2 =	stileid.u32  }
0x5d: {  	s1 =	rddreg [dreg:$0x1];
	p0 =	sne.s32 s2, $0x0  }
0x5e: {  	s3 =	rddreg [dreg:$0x2];
	[bflag:$0x3] =	sbarrier.arrive $0xFFFF;
	s2 =	simm.s32 @!p0 $0x1C01  }
0x5f: {  	[timem:s3], [sflag:s2] =	dma.local @!p0 [hbm:s0], s1  }
0x60: {  	s0 =	simm.s32 @!p0 $0x1  }
0x61: {  	_ =	swait.ge @!p0 [sflag:s0], s1  }
0x62: {  	s1 =	ssub.s32 @!p0 $0x0, s1;
	[sflag:s0] =	ssyncset.done @!p0 $0x0  }
0x63: {  	[sflag:s0] =	ssyncadd.s32 @!p0 s1  }
0x64: {  	[bflag:$0x3] =	sbarrier.arrive $0xFFFF  }
0x65: {  	_ =	shalt  }

</sc_bundles>
